<compile_context>
chip_gen: v7x
topology: tpu7x:2x2x1
jax: 0.10.2.dev20260603
libtpu: 0.0.44.dev20260713+nightly
codegen_flags: <defaults>
</compile_context>

<pallas_src>
import jax
import jax.numpy as jnp
from jax import lax
from jax.experimental import pallas as pl
from jax.experimental.pallas import tpu as pltpu

CB = 8


def _corr_body(emb_ref, w_ref, b_ref, out_ref):
    i = pl.program_id(0)

    @pl.when(i == 0)
    def _():
        out_ref[...] = jnp.zeros_like(out_ref)

    emb = emb_ref[...]
    wblk = w_ref[...]
    bblk = b_ref[...]
    e = lax.dot_general(emb, wblk, (((2,), (1,)), ((1,), (0,))),
                        preferred_element_type=jnp.float32)
    e = e + bblk[0][:, None, :]
    out_ref[...] += lax.dot_general(e, e, (((0,), (0,)), ((1,), (1,))),
                                    preferred_element_type=jnp.float32)


def _correlation(emb, w, b):
    B_, C_, T = emb.shape
    grid = (C_ // CB,)
    return pl.pallas_call(
        _corr_body,
        grid=grid,
        in_specs=[
            pl.BlockSpec((B_, CB, T), lambda i: (0, i, 0)),
            pl.BlockSpec((CB, T, T), lambda i: (i, 0, 0)),
            pl.BlockSpec((1, CB, T), lambda i: (0, i, 0)),
        ],
        out_specs=pl.BlockSpec((B_, T, T), lambda i: (0, 0, 0)),
        out_shape=jax.ShapeDtypeStruct((B_, T, T), jnp.float32),
        compiler_params=pltpu.CompilerParams(
            dimension_semantics=("arbitrary",),
        ),
    )(emb, w, b)


def kernel(im, weight, w, b):
    B_, C_, H_, W_ = im.shape
    T = w.shape[1]
    one_dim = H_ * W_
    x = im.reshape(B_, C_, one_dim)
    c = weight.reshape(B_, one_dim)
    G = 8
    S = one_dim // G
    v1, i1 = jax.lax.top_k(c.reshape(B_ * G, S), T)
    gbase = (jnp.arange(B_ * G, dtype=jnp.int32) % G * S)[:, None]
    gidx = (i1 + gbase).reshape(B_, G * T)
    v2, i2 = jax.lax.top_k(v1.reshape(B_, G * T), T)
    top_vals = v2
    top_idx = jnp.take_along_axis(gidx, i2, axis=1)
    kth = top_vals[:, -1][:, None]
    wsel = jax.nn.relu(jnp.floor(top_vals - kth) + 0.5) * 2.0
    idx3 = jnp.broadcast_to(top_idx[:, None, :], (B_, C_, T))
    img = jnp.take_along_axis(x, idx3, axis=2)
    emb = wsel[:, None, :] * img
    return _correlation(emb, w, b)

# --- scband reference (transcript-rebuilt; emitter-appended) ---
"""Pipeline reference for scband-self-correlation-84404697301590 (READ-ONLY COPY).

The authoritative reference and input builder live on the scoring server;
editing this copy changes nothing except your own understanding.
"""

import jax, jax.numpy as jnp
import numpy as np

B, C, H, W = 4, 192, 224, 224
TOPK = 512

def setup_inputs(seed: int = 0) -> dict:
    key = jax.random.key(seed)
    k1, k2, k3, k4 = jax.random.split(key, 4)
    im = jax.random.normal(k1, (B, C, H, W), dtype=jnp.float32)
    weight = jax.random.normal(k2, (B, H, W), dtype=jnp.float32)
    # LinearWithChannel params: w [C, topk, topk], b [1, C, topk]
    fan_in = TOPK
    # kaiming_uniform_ with a=sqrt(3): gain = sqrt(2/(1+3)) = sqrt(0.5); bound = gain*sqrt(3/fan_in)
    bound_w = float(np.sqrt(0.5) * np.sqrt(3.0 / fan_in))
    w = jax.random.uniform(k3, (C, TOPK, TOPK), minval=-bound_w, maxval=bound_w, dtype=jnp.float32)
    bound_b = float(1.0 / np.sqrt(fan_in))
    b = jax.random.uniform(k4, (1, C, TOPK), minval=-bound_b, maxval=bound_b, dtype=jnp.float32)
    return {"im": im, "weight": weight, "w": w, "b": b}

def reference(im, weight, w, b):
    Bs, Cs, Hs, Ws = im.shape
    topk = w.shape[1]
    one_dim = Hs * Ws
    x = im.reshape(Bs, Cs, one_dim)
    c = weight.reshape(Bs, one_dim)
    top_vals, top_idx = jax.lax.top_k(c, topk)
    selected = c - top_vals[:, -1][:, None]
    selected = jnp.floor(selected)
    selected = jax.nn.relu(selected + 0.5) * 2.0
    # batched_index_select(selected, 1, indexes) -> gather along dim 1
    wsel = jnp.take_along_axis(selected, top_idx, axis=1)  # [B, topk]
    # batched_index_select(x, 2, indexes) -> gather along dim 2, broadcast over C
    idx3 = jnp.broadcast_to(top_idx[:, None, :], (Bs, Cs, topk))
    img = jnp.take_along_axis(x, idx3, axis=2)  # [B, C, topk]
    embedding = wsel[:, None, :] * img  # [B, C, topk]
    # LinearWithChannel: bmm(emb.transpose(0,1) [C,B,t], w [C,t,t]).transpose(0,1) + b
    e = jnp.einsum('bct,cto->bco', embedding, w) + b  # [B, C, topk]
    v3t = jnp.swapaxes(e, 1, 2)  # [B, topk, C]
    out = jnp.matmul(v3t, e)  # [B, topk, topk]
    return out

if __name__ == "__main__":
    import jax
    _d = setup_inputs()
    print(jax.jit(kernel)(*tuple(_d.values())))

</pallas_src>

<mosaic_0001>
module attributes {stable_mosaic.version = 14 : i64} {
  func.func @_corr_body(%arg0: i32, %arg1: memref<4x8x512xf32, #tpu.memory_space<vmem>>, %arg2: memref<8x512x512xf32, #tpu.memory_space<vmem>>, %arg3: memref<1x8x512xf32, #tpu.memory_space<vmem>>, %arg4: memref<4x512x512xf32, #tpu.memory_space<vmem>>) attributes {dimension_semantics = [#tpu.dimension_semantics<arbitrary>], iteration_bounds = array<i64: 24>, scalar_prefetch = 0 : i64, scratch_operands = 0 : i64, tpu.core_type = #tpu.core_type<tc>, window_params = [{transform_indices = @transform_0, window_bounds = array<i64: 4, 8, 512>}, {transform_indices = @transform_1, window_bounds = array<i64: 8, 512, 512>}, {transform_indices = @transform_2, window_bounds = array<i64: 1, 8, 512>}, {pipeline_mode = #tpu.pipeline_mode<synchronous>, transform_indices = @transform_3, window_bounds = array<i64: 4, 512, 512>}]} {
    %eq3A = arith.constant 0 : i32
    %eq3A_0 = arith.cmpi eq, %arg0, %eq3A : i32
    %convert_element_type3A = arith.extui %eq3A_0 : i1 to i32
    %cond3A = arith.constant 0 : i32
    %cond3A_1 = arith.cmpi ne, %convert_element_type3A, %cond3A : i32
    scf.if %cond3A_1 {
      %broadcast_in_dim3A_25 = arith.constant 0.000000e+00 : f32
      %broadcast_in_dim3A_26 = vector.broadcast %broadcast_in_dim3A_25 : f32 to vector<4x512x512xf32>
      %swap3A_27 = arith.constant 0 : index
      %swap3A_28 = arith.constant 0 : index
      %swap3A_29 = arith.constant 0 : index
      %swap3A_30 = vector.load %arg4[%swap3A_27, %swap3A_28, %swap3A_29] : memref<4x512x512xf32, #tpu.memory_space<vmem>>, vector<4x512x512xf32>
      tpu.vector_store %arg4[%swap3A_27, %swap3A_28, %swap3A_29], %broadcast_in_dim3A_26 {strides = array<i32>} : memref<4x512x512xf32, #tpu.memory_space<vmem>>, vector<4x512x512xf32>,
    } else {
    }
    %get3A = arith.constant 0 : index
    %get3A_2 = arith.constant 0 : index
    %get3A_3 = arith.constant 0 : index
    %get3A_4 = vector.load %arg1[%get3A, %get3A_2, %get3A_3] : memref<4x8x512xf32, #tpu.memory_space<vmem>>, vector<4x8x512xf32>
    %get3A_5 = arith.constant 0 : index
    %get3A_6 = arith.constant 0 : index
    %get3A_7 = arith.constant 0 : index
    %get3A_8 = vector.load %arg2[%get3A_5, %get3A_6, %get3A_7] : memref<8x512x512xf32, #tpu.memory_space<vmem>>, vector<8x512x512xf32>
    %get3A_9 = arith.constant 0 : index
    %get3A_10 = arith.constant 0 : index
    %get3A_11 = arith.constant 0 : index
    %get3A_12 = vector.load %arg3[%get3A_9, %get3A_10, %get3A_11] : memref<1x8x512xf32, #tpu.memory_space<vmem>>, vector<1x8x512xf32>
    %dot_general3A = arith.constant dense<0.000000e+00> : vector<8x4x512xf32>
    %dot_general3A_13 = tpu.matmul %get3A_4, %get3A_8, %dot_general3A {dimension_numbers = #tpu.dot_dimension_numbers<[2], [1], [0], [2], [0, 1, 0, 0, 1, 2], [1], [0]>, transpose_lhs_hint = false} : vector<4x8x512xf32>, vector<8x512x512xf32>, vector<8x4x512xf32> -> vector<8x4x512xf32>
    %squeeze3A = vector.shape_cast %get3A_12 : vector<1x8x512xf32> to vector<8x512xf32>
    %broadcast_in_dim3A = vector.shape_cast %squeeze3A : vector<8x512xf32> to vector<8x1x512xf32>
    %add3A = vector.broadcast %broadcast_in_dim3A : vector<8x1x512xf32> to vector<8x4x512xf32>
    %add3A_14 = arith.addf %dot_general3A_13, %add3A : vector<8x4x512xf32>
    %get3A_15 = arith.constant 0 : index
    %get3A_16 = arith.constant 0 : index
    %get3A_17 = arith.constant 0 : index
    %get3A_18 = vector.load %arg4[%get3A_15, %get3A_16, %get3A_17] : memref<4x512x512xf32, #tpu.memory_space<vmem>>, vector<4x512x512xf32>
    %dot_general3A_19 = arith.constant dense<0.000000e+00> : vector<4x512x512xf32>
    %dot_general3A_20 = tpu.matmul %add3A_14, %add3A_14, %dot_general3A_19 {dimension_numbers = #tpu.dot_dimension_numbers<[0], [0], [2], [2], [0, 1, 0, 2, 1, 2], [1], [1]>, transpose_lhs_hint = false} : vector<8x4x512xf32>, vector<8x4x512xf32>, vector<4x512x512xf32> -> vector<4x512x512xf32>
    %add3A_21 = arith.addf %get3A_18, %dot_general3A_20 : vector<4x512x512xf32>
    %swap3A = arith.constant 0 : index
    %swap3A_22 = arith.constant 0 : index
    %swap3A_23 = arith.constant 0 : index
    %swap3A_24 = vector.load %arg4[%swap3A, %swap3A_22, %swap3A_23] : memref<4x512x512xf32, #tpu.memory_space<vmem>>, vector<4x512x512xf32>
    tpu.vector_store %arg4[%swap3A, %swap3A_22, %swap3A_23], %add3A_21 {strides = array<i32>} : memref<4x512x512xf32, #tpu.memory_space<vmem>>, vector<4x512x512xf32>,
    return
  }
  func.func @transform_0(%arg0: i32) -> (i32, i32, i32) {
    %c0_i32 = arith.constant 0 : i32
    %c0_i32_0 = arith.constant 0 : i32
    %c0_i32_1 = arith.constant 0 : i32
    return %c0_i32, %arg0, %c0_i32_0 : i32, i32, i32
  }
  func.func @transform_1(%arg0: i32) -> (i32, i32, i32) {
    %c0_i32 = arith.constant 0 : i32
    %c0_i32_0 = arith.constant 0 : i32
    %c0_i32_1 = arith.constant 0 : i32
    return %arg0, %c0_i32, %c0_i32_0 : i32, i32, i32
  }
  func.func @transform_2(%arg0: i32) -> (i32, i32, i32) {
    %c0_i32 = arith.constant 0 : i32
    %c0_i32_0 = arith.constant 0 : i32
    %c0_i32_1 = arith.constant 0 : i32
    return %c0_i32, %arg0, %c0_i32_0 : i32, i32, i32
  }
  func.func @transform_3(%arg0: i32) -> (i32, i32, i32) {
    %c0_i32 = arith.constant 0 : i32
    %c0_i32_0 = arith.constant 0 : i32
    %c0_i32_1 = arith.constant 0 : i32
    %c0_i32_2 = arith.constant 0 : i32
    return %c0_i32, %c0_i32_0, %c0_i32_1 : i32, i32, i32
  }
}

</mosaic_0001>

<sc_bundles>
// kernel: gather_offload_async_start.1
scs
__scs_entry_jumppad:
0x0: {  	(pc) =	sbr.rel $0x88, $3  }
0x1: {  	(tag) =	ssettag $0x0;
	lr =	simm.s32 $0x1  }
0x2: {  	[smem:$0x3F9D] =	sst lr;
	_ =	strace $0xD0000000  }
0x3: {  	_ = 	snop  }
0x4: {  	_ = 	snop  }
0x5: {  	_ = 	snop  }
0x6: {  	_ = 	snop  }
0x7: {  	_ = 	snop  }
__scs_overlays_trampoline_lowered:
0x8: {  	[smem:$0x3FAC] =	sst s0  }
0x9: {  	[smem:$0x3FAD] =	sst s1  }
0xa: {  	[smem:$0x3FAE] =	sst s2  }
0xb: {  	[smem:$0x3FAF] =	sst s3  }
0xc: {  	[smem:$0x3FB0] =	sst s4  }
0xd: {  	[smem:$0x3FB1] =	sst s5  }
0xe: {  	[smem:$0x3FB2] =	sst s6  }
0xf: {  	[smem:$0x3FB3] =	sst s7  }
0x10: {  	[smem:$0x3FB4] =	sst s8  }
0x11: {  	[smem:$0x3FB5] =	sst s9;
	s0 =	simm.s32 @!p0 $0x0  }
0x12: {  	s1 =	sld [smem:$0x3F9B];
	s0 =	simm.s32 @p0 $0x1  }
0x13: {  	[smem:$0x3FB6] =	sst s0;
	s0 =	simm.s32 @!p1 $0x0  }
0x14: {  	s2 =	sld [smem:$0x3F9A];
	s0 =	simm.s32 @p1 $0x1  }
0x15: {  	[smem:$0x3FB7] =	sst s0;
	s0 =	simm.s32 @!p2 $0x0  }
0x16: {  	s3 =	sld [smem:$0x3FDB];
	s0 =	simm.s32 @p2 $0x1  }
0x17: {  	s4 =	simm.s32 $0x1BF5;
	[smem:$0x3FB9] =	sst s0  }
0x18: {  	s0 =	sld [smem:$0x3F9C];
	_ =	swait.ge [sflag:s4], $0x0  }
0x19: {  	s7 =	sld [smem:$0x3F9D]  }
0x1a: {  	s8 =	sadd.s32 $0xFFFFE003, lr  }
0x1b: {  	s9 =	sadd.s32 $0xFFFFFEF7, lr;
	s5 =	simm.s32 $0xFFFFFFFF;
	p2 =	slt.u32 s8, $0xFFFFF086  }
0x1c: {  	p1 =	slt.u32 s9, $0xF7A;
	s5 =	simm.s32 @!p2 $0x0  }
0x1d: {  	s5 =	simm.s32 @p1 $0x1;
	p0 =	seq.s32 s7, s2  }
0x1e: {  	s7 =	smul.u32 @!p0 $0xF7A, s2;
	p2 =	seq.s32 @!p0 s5, $0x0  }
0x1f: {  	s9 =	smul.u32 $0xF7A, s1;
	s8 =	simm.s32 @!p0 $0x1BF5;
	p2 =	por !p2, p0  }
0x20: {  	[sflag:s8] =	ssyncset.s32 @!p0 $0xFFFFF086;
	s6 =	sadd.s32 @!p0 s3, s7;
	s7 =	simm.s32 @!p0 $0x108  }
0x21: {  	s3 =	sadd.s32 s3, s9;
	s6 =	sadd.s32 @!p0 $0x88, s6;
	s7 =	simm.s32 @p2 $0x1082  }
0x22: {  	[simem:s7], [sflag:s8] =	dma.local @!p0 [hbm:s6], $0xF7A  }
0x23: {  	s9 =	sor.u32 $0xD0000000, s2;
	s6 =	simm.s32 $0x108;
	_ =	swait.ge @!p0 [sflag:s8], $0x0  }
0x24: {  	s3 =	sadd.s32 $0x88, s3;
	s6 =	simm.s32 @!p1 $0x1082;
	[sflag:s4] =	ssyncset.s32 $0xFFFFF086  }
0x25: {  	[simem:s6], [sflag:s4] =	dma.local [hbm:s3], $0xF7A  }
0x26: {  	[smem:$0x3F9D] =	sst s1;
	(tag) =	ssettag s2;
	_ =	strace s9  }
0x27: {  	s1 =	sld [smem:$0x3FAD]  }
0x28: {  	s2 =	sld [smem:$0x3FAE]  }
0x29: {  	s4 =	sld [smem:$0x3FB0]  }
0x2a: {  	p0 =	seq.s32 s5, $0x0;
	s5 =	sld [smem:$0x3FB1]  }
0x2b: {  	s6 =	sld [smem:$0x3FB2]  }
0x2c: {  	s7 =	sld [smem:$0x3FB3]  }
0x2d: {  	s3 =	simm.s32 $0x108;
	s8 =	sld [smem:$0x3FB4]  }
0x2e: {  	s3 =	simm.s32 @!p0 $0x1082;
	s9 =	sld [smem:$0x3FB5]  }
0x2f: {  	lr =	sadd.s32 s0, s3;
	s0 =	sld [smem:$0x3FAC]  }
0x30: {  	s3 =	sld [smem:$0x3FAF]  }
0x31: {  	[smem:$0x3FB8] =	sst s10  }
0x32: {  	s10 =	sld [smem:$0x3FB6];
	_ =	sdelay $0x3  }
0x33: {  	p0 =	seq.s32 s10, $0x1;
	s10 =	sld [smem:$0x3FB8];
	_ =	sdelay $0x3  }
0x34: {  	[smem:$0x3FB8] =	sst s10  }
0x35: {  	s10 =	sld [smem:$0x3FB7];
	_ =	sdelay $0x3  }
0x36: {  	p1 =	seq.s32 s10, $0x1;
	s10 =	sld [smem:$0x3FB8];
	_ =	sdelay $0x3  }
0x37: {  	[smem:$0x3FB8] =	sst s10  }
0x38: {  	s10 =	sld [smem:$0x3FB9]  }
0x39: {  	_ = 	snop;
	(pc) =	sbr.ind lr, $3  }
0x3a: {  	_ = 	snop  }
0x3b: {  	_ = 	snop  }
0x3c: {  	p2 =	seq.s32 s10, $0x1;
	s10 =	sld [smem:$0x3FB8]  }
0x3d: {  	_ =	shalt  }
0x3e: {  	_ =	shalt  }
0x3f: {  	_ =	shalt  }
0x40: {  	_ =	shalt  }
0x41: {  	_ =	shalt  }
0x42: {  	_ =	shalt  }
0x43: {  	_ =	shalt  }
0x44: {  	_ =	shalt  }
0x45: {  	_ =	shalt  }
0x46: {  	_ =	shalt  }
0x47: {  	_ =	shalt  }
0x48: {  	_ =	shalt  }
0x49: {  	_ =	shalt  }
0x4a: {  	_ =	shalt  }
0x4b: {  	_ =	shalt  }
0x4c: {  	_ =	shalt  }
0x4d: {  	_ =	shalt  }
0x4e: {  	_ =	shalt  }
0x4f: {  	_ =	shalt  }
0x50: {  	_ =	shalt  }
0x51: {  	_ =	shalt  }
0x52: {  	_ =	shalt  }
0x53: {  	_ =	shalt  }
0x54: {  	_ =	shalt  }
0x55: {  	_ =	shalt  }
0x56: {  	_ =	shalt  }
0x57: {  	_ =	shalt  }
0x58: {  	_ =	shalt  }
0x59: {  	_ =	shalt  }
0x5a: {  	_ =	shalt  }
0x5b: {  	_ =	shalt  }
0x5c: {  	_ =	shalt  }
0x5d: {  	_ =	shalt  }
0x5e: {  	_ =	shalt  }
0x5f: {  	_ =	shalt  }
0x60: {  	_ =	shalt  }
0x61: {  	_ =	shalt  }
0x62: {  	_ =	shalt  }
0x63: {  	_ =	shalt  }
0x64: {  	_ =	shalt  }
0x65: {  	_ =	shalt  }
0x66: {  	_ =	shalt  }
0x67: {  	_ =	shalt  }
0x68: {  	_ =	shalt  }
0x69: {  	_ =	shalt  }
0x6a: {  	_ =	shalt  }
0x6b: {  	_ =	shalt  }
0x6c: {  	_ =	shalt  }
0x6d: {  	_ =	shalt  }
0x6e: {  	_ =	shalt  }
0x6f: {  	_ =	shalt  }
0x70: {  	_ =	shalt  }
0x71: {  	_ =	shalt  }
0x72: {  	_ =	shalt  }
0x73: {  	_ =	shalt  }
0x74: {  	_ =	shalt  }
0x75: {  	_ =	shalt  }
0x76: {  	_ =	shalt  }
0x77: {  	_ =	shalt  }
0x78: {  	_ =	shalt  }
0x79: {  	_ =	shalt  }
0x7a: {  	_ =	shalt  }
0x7b: {  	_ =	shalt  }
0x7c: {  	_ =	shalt  }
0x7d: {  	_ =	shalt  }
0x7e: {  	_ =	shalt  }
0x7f: {  	_ =	shalt  }
0x80: {  	_ =	shalt  }
0x81: {  	_ =	shalt  }
0x82: {  	_ =	shalt  }
0x83: {  	_ =	shalt  }
0x84: {  	_ =	shalt  }
0x85: {  	_ =	shalt  }
0x86: {  	_ =	shalt  }
0x87: {  	_ =	shalt  }
.Lfunc_end0:
.L_simem_size_0:
called_computation.1_lowered:
.L_overlay_start_0:
0x88: {  	s2 =	sld [smem:$0x3FD9]  }
0x89: {  	s3 =	sld [smem:$0x3FFE];
	_ =	sdelay $0x1  }
0x8a: {  	s1 =	srdreg.scid  }
0x8b: {  	s0 =	sand.u32 $0x1, s1  }
0x8c: {  	s17 =	sshll.u32 s0, $0xA;
	s2 =	sadd.s32 s3, s2  }
0x8d: {  	s2 =	sadd.s32 s2, s17  }
0x8e: {  	[smem:$0x3FC4] =	sst s2  }
0x8f: {  	_ = 	snop  }
0x90: {  	s2 =	sld [smem:$0x3FD0];
	(tm) =	ssettm $0x1  }
0x91: {  	s18 =	sld [smem:$0x3FFB];
	_ =	sdelay $0x3  }
0x92: {  	_ =	strace s18  }
0x93: {  	s3 =	sld [smem:$0x3FFC];
	_ =	sdelay $0x3  }
0x94: {  	_ =	strace s3  }
0x95: {  	s3 =	sld [smem:$0x3FFD];
	_ =	sdelay $0x3  }
0x96: {  	_ =	strace s3  }
0x97: {  	_ =	strace $0x8FFFFFFF  }
0x98: {  	s19 =	sld [smem:$0x3FDB];
	_ =	sdelay $0x1  }
0x99: {  	s4 =	simm.s32 $_scs_section_size  }
0x9a: {  	s5 =	simm.s32 $_size__tile_overlayer_lowered;
	s6 =	simm.s32 $_tile_overlayer_lowered  }
0x9b: {  	s22 =	simm.s32 $0x1BFF;
	s21 =	sshll.u32 s6, $0x1;
	s3 =	sadd.s32 s4, s19  }
0x9c: {  	s7 =	simm.s32 $0x0;
	s20 =	sshll.u32 s5, $0x1;
	s5 =	sadd.s32 s21, s3  }
0x9d: {  	[timem:s7], [sflag:s22] =	dma.local [hbm:s5], s20  }
0x9e: {  	_ =	swait.ge [sflag:s22], s20  }
0x9f: {  	s4 =	ssub.s32 $0x0, s20;
	[sflag:s22] =	ssyncset.done $0x0  }
0xa0: {  	[sflag:s22] =	ssyncadd.s32 s4;
	_ =	sdelay $0x1  }
0xa1: {  	s23 =	simm.s32 $0x1B8B  }
0xa2: {  	_ =	swait.ge [sflag:s23], $0x1  }
0xa3: {  	[sflag:s23] =	ssyncset.done $0x0  }
0xa4: {  	s25 =	simm.s32 $0x1B8E;
	s24 =	sld [smem:$0x3FFE];
	[sflag:s23] =	ssyncadd.s32 $0xFFFFFFFF  }
0xa5: {  	s26 =	simm.s32 $execute0_lowered;
	[smem:$0x3FD2] =	sst s25  }
0xa6: {  	s5 =	sshll.u32 s26, $0x1;
	_ =	strace $0x80000049;
	[dreg:$0x1] =	wrdreg $0xFFFFFFFF  }
0xa7: {  	s28 =	simm.s32 $_size_execute0_lowered;
	s3 =	sadd.s32 s3, s5;
	[dreg:$0x0] =	wrdreg $0x0  }
0xa8: {  	s5 =	sshll.u32 s28, $0x1;
	[dreg:$0x2] =	wrdreg s3  }
0xa9: {  	[dreg:$0x3] =	wrdreg s5  }
0xaa: {  	[dreg:$0x4] =	wrdreg $0xC0  }
0xab: {  	_ =	task [dreg:s7], $0x5FFFF  }
0xac: {  	[dreg:$0x1] =	wrdreg $0xFFFFFFFF  }
0xad: {  	[dreg:$0x0] =	wrdreg $0x60  }
0xae: {  	[dreg:$0x2] =	wrdreg s24  }
0xaf: {  	[dreg:$0x3] =	wrdreg s2  }
0xb0: {  	[dreg:$0x4] =	wrdreg $0x9  }
0xb1: {  	_ =	task.clear_ibuf [dreg:s7], $0x5FFFF;
	_ =	strace $0x90000049  }
0xb2: {  	s29 =	simm.s32 $0x9;
	_ =	strace $0x8000004B  }
0xb3: {  	_ =	swait.ge [sflag:s29], $0x1  }
0xb4: {  	[sflag:s29] =	ssyncadd.s32 $0xFFFFFFFF  }
0xb5: {  	_ =	strace $0x9000004B  }
0xb6: {  	_ =	sfence  }
0xb7: {  	s30 =	sld [smem:$0x0];
	_ =	sdelay $0x2  }
0xb8: {  	s31 =	sshll.u32 s1, $0xD;
	s1 =	sshrl.u32 s1, $0x2  }
0xb9: {  	s3 =	sand.u32 $0x4000, s31;
	s1 =	sadd.s32 s1, s30  }
0xba: {  	s0 =	sor.u32 s3, s0;
	s1 =	sshll.u32 s1, $0x11  }
0xbb: {  	s0 =	sor.u32 s1, s0  }
0xbc: {  	s0 =	sadd.s32 $0x8F2B, s0  }
0xbd: {  	[sflag:s0] =	ssyncadd.remote.s32 $0x1  }
0xbe: {  	_ =	sfence.sel $0xFFFF  }
0xbf: {  	[dreg:$0x0] =	wrdreg $0xFFFFFFFF;
	(pc) =	sbr.abs _section_cstart, $3  }
0xc0: {  	[dreg:$0x1] =	wrdreg $0xFFFFFFFF  }
0xc1: {  	_ =	task.clear_ibuf [dreg:s7], $0x2FFFF;
	_ =	strace $0x9FFFFFFF  }
0xc2: {  	(tm) =	ssettm $0x7FFFFFFF  }
0xc3: {  	_ =	shalt  }
tec
execute0_lowered:
.L_overlay_start_1:
0x0: {  	(tag) =	ssettag $0x1  }
0x1: {  	s1 =	srdreg.scid;
	s5 =	rddreg [dreg:$0x0]  }
0x2: {  	s0 =	stileid.u32;
	s2 =	rddreg [dreg:$0x1];
	s6 =	simm.s32 $0x1  }
0x3: {  	s9 =	simm.s32 $0x1;
	s10 =	simm.s32 $0x3;
	s1 =	sshll.u32 s1, $0xD  }
0x4: {  	s13 =	simm.s32 $0x0;
	s3 =	sshll.u32 s0, $0xE;
	s4 =	sand.u32 $0x2000, s1  }
0x5: {  	s12 =	simm.s32 $0x0;
	s1 =	rddreg [dreg:$0x2];
	s3 =	sor.u32 s3, s4  }
0x6: {  	_ =	strace $0x8000004A;
	s4 =	sadd.s32 $0x600, s5;
	s8 =	ssub.s32 $0x60000, s3  }
.Ltmp0:
0x7: {  	s5 =	sadd.s32 $0x498800, s5;
	s7 =	sand.u32 $0x3E000, s8;
	(pc) =	sbr.rel .LBB2_1-.Ltmp0, $4  }
0x8: {  	[sflag:s6] =	ssyncpa.u1 $0x0;
	s11 =	smov.u32 s3;
	p0 =	sne.s32 s7, $0x0  }
0x9: {  	s8 =	sshrl.u32 s8, $0x12;
	s7 =	simm.s32 $0x2;
	s9 =	simm.s32 @!p0 $0x0  }
0xa: {  	[sflag:s7] =	ssyncpa.u1 $0x0;
	p0 =	por $0x0, $0x0;
	s8 =	sadd.s32 s9, s8  }
0xb: {  	vm0 =	vmmov $0xffff;
	[sflag:s10] =	ssyncpa.u1 $0x0;
	s10 =	simm.s32 $0x0;
	s9 =	sadd.s32 $0x1, s8  }
.LBB2_4:
0xc: {  	v6 =	vand.u32 $0x7F, v4;
	v3 =	vsel vm1, $0xFF6D0000, v3  }
0xd: {  	v5 =	vmul.u32 $0x62000, v5;
	vm1 =	vmmov vm2;
	v56 =	vshll.u32 v4, $0x3  }
0xe: {  	v7 =	vand.u32 $0x3, v1;
	v2 =	vshll.u32 v2, $0x7;
	v57 =	vshrl.u32 v1, $0x2  }
0xf: {  	v58 =	vshrl.u32 v1, $0xA;
	v3 =	vor.u32 v3, v6;
	v4 =	vand.u32 $0xFFFFFC00, v56  }
0x10: {  	v2 =	vand.u32 $0x380, v2;
	v3 =	vadd.s32 v5, v3;
	v5 =	vand.u32 $0xFF, v57  }
0x11: {  	v1 =	vand.u32 $0xFFFF, v58;
	v59 =	vmul.u32 $0x930000, v7;
	v5 =	vsel vm1, $0xFFFFFFFF, v5  }
0x12: {  	v1 =	vsel vm1, $0xFFFFFFFF, v1;
	v3 =	vadd.s32 v4, v3;
	v60 =	vshrl.u32 v5, $0x3  }
0x13: {  	v61 =	vand.u32 $0x7F, v1;
	v6 =	vsel vm1, $0xFF6D0000, v59;
	v4 =	vmul.u32 $0x62000, v60  }
0x14: {  	v1 =	vshll.u32 v1, $0x3;
	v2 =	vor.u32 v2, v3;
	v62 =	vor.u32 v6, v61  }
0x15: {  	v1 =	vand.u32 $0xFFFFFC00, v1;
	v5 =	vshll.u32 v5, $0x7;
	v3 =	vadd.s32 v4, v62  }
0x16: {  	v63 =	vand.u32 $0x380, v5;
	v1 =	vadd.s32 v1, v3  }
0x17: {  	(ifvalue) =	ssetifvalue $0x7FFFFFFF;
	s15 =	sadd.s32 $0x10, s15;
	v1 =	vor.u32 v63, v1  }
0x18: {  	[tilespmem:s15], [sflag:$0x1] =	stream.indirect_vreg.gather [hbm4b:s4+s10], $0x1, v0, vm0, $0x4038;
	[tilespmem:$0x8000] =	vst v63  }
0x19: {  	(ifvalue) =	ssetifvalue $0x7FFFFFFF;
	s15 =	sadd.s32 $0x10, s15  }
0x1a: {  	[tilespmem:s15], [sflag:$0x1] =	stream.indirect_vreg.gather [hbm4b:s4+s10], $0x1, v2, vm0, $0x4038;
	[tilespmem:$0x8000] =	vst v63  }
0x1b: {  	(ifvalue) =	ssetifvalue $0x7FFFFFFF;
	s15 =	sadd.s32 $0x10, s15  }
0x1c: {  	[tilespmem:s15], [sflag:$0x1] =	stream.indirect_vreg.gather [hbm4b:s4+s10], $0x1, v1, vm0, $0x4038;
	[tilespmem:$0x8000] =	vst v63  }
0x1d: {  	_ =	swait.ge [sflag:s6], $0x2000  }
0x1e: {  	s30 =	sshrl.u32 s13, $0x3;
	[sflag:s6] =	ssyncset.done $0x0  }
0x1f: {  	s31 =	sand.u32 $0x7, s13;
	s15 =	sadd.s32 s5, s30;
	[sflag:s6] =	ssyncadd.s32 $0xFFFFE000  }
0x20: {  	[hbm4b:s15+s31] =	stream.linear.scatter [tilespmem:s14], [sflag:$0x3], $0x2000, $0x38;
	[tilespmem:$0x8000] =	vst v63  }
.LBB2_5:
0x21: {  	s15 =	sadd.s32 $0x40000, s11  }
0x22: {  	p2 =	sgt.s32 s15, $0x5FFFF  }
0x23: {  	s15 =	smov.u32 @p2 s3;
	p2 =	sne.s32 s12, s9  }
.Ltmp1:
0x24: {  	p1 =	slt.u32 s12, $0x2;
	(pc) =	sbr.rel @!p2 .LBB2_6-.Ltmp1, $4  }
0x25: {  	s14 =	simm.s32 @!p1 $0x3  }
0x26: {  	s16 =	sadd.s32 $0x1, s12;
	_ =	swait.ge @!p1 [sflag:s14], $0x2000  }
0x27: {  	s13 =	smov.u32 s11;
	p0 =	por !p0, !p0;
	[sflag:s14] =	ssyncset.done @!p1 $0x0  }
0x28: {  	s12 =	smov.u32 s16;
	s11 =	smov.u32 s15;
	[sflag:s14] =	ssyncadd.s32 @!p1 $0xFFFFE000  }
.LBB2_1:
0x29: {  	p1 =	sge.u32 s12, s8  }
0x2a: {  	s14 =	sxor.u32 @!p1 $0xFFFFFFFF, s12  }
0x2b: {  	s31 =	sadd.s32 $0xFFFFFFFF, s12;
	s15 =	sshrl.u32 @!p1 s11, $0x3;
	s14 =	sshll.u32 @!p1 s14, $0xD  }
0x2c: {  	s16 =	sand.u32 @!p1 $0x7, s11;
	s15 =	sadd.s32 @!p1 s2, s15;
	s14 =	sand.u32 @!p1 $0x2000, s14  }
0x2d: {  	[tilespmem:s14], [sflag:$0x2] =	stream.linear.gather @!p1 [hbm4b:s15+s16], $0x2000, $0x38;
	[tilespmem:$0x8000] =	vst v63  }
0x2e: {  	p1 =	sge.u32 s31, s8  }
.Ltmp2:
0x2f: {  	_ = 	snop;
	(pc) =	sbr.rel @p1 .LBB2_5-.Ltmp2, $1  }
0x30: {  	_ =	sdelay $0x3  }
0x31: {  	s14 =	simm.s32 $0x1  }
0x32: {  	_ =	swait.ge [sflag:s7], $0x2000;
	s14 =	simm.s32 @!p0 $0x0  }
0x33: {  	[sflag:s7] =	ssyncset.done $0x0;
	s14 =	sshll.u32 s14, $0xD  }
0x34: {  	[sflag:s7] =	ssyncadd.s32 $0xFFFFE000;
	(ifvalue) =	ssetifvalue $0x7FFFFFFF;
	v0 =	vld.msk [tilespmem:s14+$0x0 ss:$0x1], $0xffff;
	_ =	sdelay $0x1  }
0x35: {  	s15 =	sadd.s32 $0x10, s14  }
0x36: {  	v1 =	vld.msk [tilespmem:s15+$0x0 ss:$0x1], $0xffff;
	s15 =	sadd.s32 $0x10, s15  }
0x37: {  	v6 =	vld.msk [tilespmem:s15+$0x0 ss:$0x1], $0xffff  }
0x38: {  	vm1 =	veq.s32 v0, $0x80000000;
	v2 =	vand.u32 $0x3, v0  }
0x39: {  	v3 =	vshrl.u32 v0, $0x2;
	v0 =	vshrl.u32 v0, $0xA;
	vm1 =	vmmov vm1  }
0x3a: {  	v3 =	vand.u32 $0xFF, v3;
	v0 =	vand.u32 $0xFFFF, v0;
	v2 =	vmul.u32 $0x930000, v2  }
0x3b: {  	vm2 =	veq.s32 v1, $0x80000000;
	v7 =	vand.u32 $0x3, v1;
	v3 =	vsel vm1, $0xFFFFFFFF, v3  }
0x3c: {  	v0 =	vsel vm1, $0xFFFFFFFF, v0;
	v8 =	vand.u32 $0x3, v6;
	v4 =	vshrl.u32 v3, $0x3  }
0x3d: {  	v5 =	vand.u32 $0x7F, v0;
	v2 =	vsel vm1, $0xFF6D0000, v2;
	vm1 =	vmmov vm2  }
0x3e: {  	v0 =	vshll.u32 v0, $0x3;
	v3 =	vshll.u32 v3, $0x7;
	v4 =	vmul.u32 $0x62000, v4  }
0x3f: {  	v2 =	vor.u32 v2, v5;
	v0 =	vand.u32 $0xFFFFFC00, v0;
	v3 =	vand.u32 $0x380, v3  }
0x40: {  	v2 =	vadd.s32 v4, v2;
	v4 =	vshrl.u32 v1, $0x2;
	v1 =	vshrl.u32 v1, $0xA  }
0x41: {  	v0 =	vadd.s32 v0, v2;
	v2 =	vand.u32 $0xFF, v4;
	v1 =	vand.u32 $0xFFFF, v1  }
0x42: {  	v0 =	vor.u32 v3, v0;
	v2 =	vsel vm1, $0xFFFFFFFF, v2;
	v3 =	vmul.u32 $0x930000, v7  }
0x43: {  	vm2 =	veq.s32 v6, $0x80000000;
	v4 =	vsel vm1, $0xFFFFFFFF, v1;
	v1 =	vshrl.u32 v2, $0x3  }
0x44: {  	s17 =	sadd.s32 $0x10, s15;
	v5 =	vand.u32 $0x7F, v4;
	v3 =	vsel vm1, $0xFF6D0000, v3;
	v7 =	vmul.u32 $0x62000, v1  }
0x45: {  	v4 =	vshll.u32 v4, $0x3;
	v2 =	vshll.u32 v2, $0x7;
	v1 =	vld.msk [tilespmem:s17+$0x0 ss:$0x1], $0xffff;
	v3 =	vor.u32 v3, v5  }
0x46: {  	vm1 =	vmmov vm2;
	v4 =	vand.u32 $0xFFFFFC00, v4;
	v3 =	vadd.s32 v7, v3  }
0x47: {  	s31 =	sshll.u32 s12, $0xD;
	s15 =	sor.u32 $0x4000, s14;
	(ifvalue) =	ssetifvalue $0x7FFFFFFF;
	v2 =	vand.u32 $0x380, v2;
	v5 =	vshrl.u32 v6, $0x2;
	v3 =	vadd.s32 v4, v3  }
0x48: {  	[tilespmem:s15], [sflag:$0x1] =	stream.indirect_vreg.gather [hbm4b:s4+s10], $0x1, v0, vm0, $0x4038;
	v4 =	vand.u32 $0xFF, v5;
	v5 =	vshrl.u32 v6, $0xA;
	v0 =	vor.u32 v2, v3;
	[tilespmem:$0x8000] =	vst v63  }
0x49: {  	s14 =	sand.u32 $0x2000, s31;
	v2 =	vsel vm1, $0xFFFFFFFF, v4;
	v4 =	vand.u32 $0xFFFF, v5;
	v3 =	vmul.u32 $0x930000, v8  }
0x4a: {  	s16 =	simm.s32 $0x30;
	s14 =	sor.u32 $0x4000, s14;
	s17 =	sadd.s32 $0x10, s17;
	vm2 =	veq.s32 v1, $0x80000000;
	v4 =	vsel vm1, $0xFFFFFFFF, v4;
	v5 =	vshrl.u32 v2, $0x3  }
.LBB2_3:
0x4b: {  	v7 =	vand.u32 $0x7F, v4  }
0x4c: {  	v6 =	vld.msk [tilespmem:s17+$0x0 ss:$0x1], $0xffff;
	v3 =	vsel vm1, $0xFF6D0000, v3;
	v5 =	vmul.u32 $0x62000, v5;
	vm1 =	vmmov vm2;
	s16 =	sadd.s32 $0x10, s16  }
0x4d: {  	v8 =	vand.u32 $0x3, v1;
	v4 =	vshll.u32 v4, $0x3;
	s15 =	sadd.s32 $0x10, s15;
	v3 =	vor.u32 v3, v7;
	(ifvalue) =	ssetifvalue $0x7FFFFFFF;
	p1 =	slt.u32 s16, $0x1FF0  }
0x4e: {  	[tilespmem:s15], [sflag:$0x1] =	stream.indirect_vreg.gather [hbm4b:s4+s10], $0x1, v0, vm0, $0x4038;
	[tilespmem:$0x8000] =	vst v63  }
.Ltmp3:
0x4f: {  	v2 =	vshll.u32 v2, $0x7;
	v4 =	vand.u32 $0xFFFFFC00, v4;
	v3 =	vadd.s32 v5, v3;
	(pc) =	sbr.rel @p1 .LBB2_3-.Ltmp3, $4  }
0x50: {  	v2 =	vand.u32 $0x380, v2;
	v0 =	vshrl.u32 v1, $0x2;
	v3 =	vadd.s32 v4, v3  }
0x51: {  	v9 =	vshrl.u32 v1, $0xA;
	v4 =	vand.u32 $0xFF, v0;
	v0 =	vor.u32 v2, v3  }
0x52: {  	v7 =	vand.u32 $0xFFFF, v9;
	v2 =	vsel vm1, $0xFFFFFFFF, v4;
	v3 =	vmul.u32 $0x930000, v8  }
0x53: {  	s17 =	sadd.s32 $0x10, s17;
	v4 =	vsel vm1, $0xFFFFFFFF, v7;
	vm2 =	veq.s32 v6, $0x80000000;
	v5 =	vshrl.u32 v2, $0x3;
	v1 =	vmovc v6  }
.Ltmp4:
0x54: {  	_ = 	snop;
	(pc) =	sbr.rel .LBB2_4-.Ltmp4, $1  }
0x55: {  	_ =	sdelay $0x3  }
.LBB2_6:
0x56: {  	_ =	sfence.sel $0x180000  }
0x57: {  	s2 =	simm.s32 $0x2;
	[bflag:$0x0] =	sbarrier.arrive $0xFFFF  }
0x58: {  	s30 =	simm.s32 $0x3;
	[sflag:s2] =	ssyncpa.u1 $0x1  }
0x59: {  	s31 =	simm.s32 $0x1;
	[sflag:s30] =	ssyncpa.u1 $0x1  }
0x5a: {  	[sflag:s31] =	ssyncpa.u1 $0x1  }
0x5b: {  	p0 =	sne.s32 s0, $0x0;
	_ =	strace $0x9000004A  }
0x5c: {  	s0 =	sadd.s32 @!p0 $0x100000, s1;
	[bflag:$0x2] =	sbarrier.arrive $0xFFFF  }
0x5d: {  	[sflag:s0] =	ssyncadd.tile.s32 @!p0 $0x1;
	_ =	shalt  }
.Lfunc_end2:
_tile_overlayer_lowered:
.L_overlay_start_2:
0x5e: {  	(tag) =	ssettag $0x2  }
0x5f: {  	s0 =	rddreg [dreg:$0x0];
	s2 =	stileid.u32  }
0x60: {  	s1 =	rddreg [dreg:$0x1];
	p0 =	sne.s32 s2, $0x0  }
0x61: {  	s3 =	rddreg [dreg:$0x2];
	[bflag:$0x3] =	sbarrier.arrive $0xFFFF;
	s2 =	simm.s32 @!p0 $0x1C01  }
0x62: {  	[timem:s3], [sflag:s2] =	dma.local @!p0 [hbm:s0], s1  }
0x63: {  	s0 =	simm.s32 @!p0 $0x1  }
0x64: {  	_ =	swait.ge @!p0 [sflag:s0], s1  }
0x65: {  	s1 =	ssub.s32 @!p0 $0x0, s1;
	[sflag:s0] =	ssyncset.done @!p0 $0x0  }
0x66: {  	[sflag:s0] =	ssyncadd.s32 @!p0 s1  }
0x67: {  	[bflag:$0x3] =	sbarrier.arrive $0xFFFF  }
0x68: {  	_ =	shalt  }

// kernel: gather_offload_async_start
scs
__scs_entry_jumppad:
0x0: {  	(pc) =	sbr.rel $0x88, $3  }
0x1: {  	(tag) =	ssettag $0x0;
	lr =	simm.s32 $0x1  }
0x2: {  	[smem:$0x3F9D] =	sst lr;
	_ =	strace $0xD0000000  }
0x3: {  	_ = 	snop  }
0x4: {  	_ = 	snop  }
0x5: {  	_ = 	snop  }
0x6: {  	_ = 	snop  }
0x7: {  	_ = 	snop  }
__scs_overlays_trampoline_lowered:
0x8: {  	[smem:$0x3FAC] =	sst s0  }
0x9: {  	[smem:$0x3FAD] =	sst s1  }
0xa: {  	[smem:$0x3FAE] =	sst s2  }
0xb: {  	[smem:$0x3FAF] =	sst s3  }
0xc: {  	[smem:$0x3FB0] =	sst s4  }
0xd: {  	[smem:$0x3FB1] =	sst s5  }
0xe: {  	[smem:$0x3FB2] =	sst s6  }
0xf: {  	[smem:$0x3FB3] =	sst s7  }
0x10: {  	[smem:$0x3FB4] =	sst s8  }
0x11: {  	[smem:$0x3FB5] =	sst s9;
	s0 =	simm.s32 @!p0 $0x0  }
0x12: {  	s1 =	sld [smem:$0x3F9B];
	s0 =	simm.s32 @p0 $0x1  }
0x13: {  	[smem:$0x3FB6] =	sst s0;
	s0 =	simm.s32 @!p1 $0x0  }
0x14: {  	s2 =	sld [smem:$0x3F9A];
	s0 =	simm.s32 @p1 $0x1  }
0x15: {  	[smem:$0x3FB7] =	sst s0;
	s0 =	simm.s32 @!p2 $0x0  }
0x16: {  	s3 =	sld [smem:$0x3FDB];
	s0 =	simm.s32 @p2 $0x1  }
0x17: {  	s4 =	simm.s32 $0x1BF5;
	[smem:$0x3FB9] =	sst s0  }
0x18: {  	s0 =	sld [smem:$0x3F9C];
	_ =	swait.ge [sflag:s4], $0x0  }
0x19: {  	s7 =	sld [smem:$0x3F9D]  }
0x1a: {  	s8 =	sadd.s32 $0xFFFFE003, lr  }
0x1b: {  	s9 =	sadd.s32 $0xFFFFFEF7, lr;
	s5 =	simm.s32 $0xFFFFFFFF;
	p2 =	slt.u32 s8, $0xFFFFF086  }
0x1c: {  	p1 =	slt.u32 s9, $0xF7A;
	s5 =	simm.s32 @!p2 $0x0  }
0x1d: {  	s5 =	simm.s32 @p1 $0x1;
	p0 =	seq.s32 s7, s2  }
0x1e: {  	s7 =	smul.u32 @!p0 $0xF7A, s2;
	p2 =	seq.s32 @!p0 s5, $0x0  }
0x1f: {  	s9 =	smul.u32 $0xF7A, s1;
	s8 =	simm.s32 @!p0 $0x1BF5;
	p2 =	por !p2, p0  }
0x20: {  	[sflag:s8] =	ssyncset.s32 @!p0 $0xFFFFF086;
	s6 =	sadd.s32 @!p0 s3, s7;
	s7 =	simm.s32 @!p0 $0x108  }
0x21: {  	s3 =	sadd.s32 s3, s9;
	s6 =	sadd.s32 @!p0 $0x88, s6;
	s7 =	simm.s32 @p2 $0x1082  }
0x22: {  	[simem:s7], [sflag:s8] =	dma.local @!p0 [hbm:s6], $0xF7A  }
0x23: {  	s9 =	sor.u32 $0xD0000000, s2;
	s6 =	simm.s32 $0x108;
	_ =	swait.ge @!p0 [sflag:s8], $0x0  }
0x24: {  	s3 =	sadd.s32 $0x88, s3;
	s6 =	simm.s32 @!p1 $0x1082;
	[sflag:s4] =	ssyncset.s32 $0xFFFFF086  }
0x25: {  	[simem:s6], [sflag:s4] =	dma.local [hbm:s3], $0xF7A  }
0x26: {  	[smem:$0x3F9D] =	sst s1;
	(tag) =	ssettag s2;
	_ =	strace s9  }
0x27: {  	s1 =	sld [smem:$0x3FAD]  }
0x28: {  	s2 =	sld [smem:$0x3FAE]  }
0x29: {  	s4 =	sld [smem:$0x3FB0]  }
0x2a: {  	p0 =	seq.s32 s5, $0x0;
	s5 =	sld [smem:$0x3FB1]  }
0x2b: {  	s6 =	sld [smem:$0x3FB2]  }
0x2c: {  	s7 =	sld [smem:$0x3FB3]  }
0x2d: {  	s3 =	simm.s32 $0x108;
	s8 =	sld [smem:$0x3FB4]  }
0x2e: {  	s3 =	simm.s32 @!p0 $0x1082;
	s9 =	sld [smem:$0x3FB5]  }
0x2f: {  	lr =	sadd.s32 s0, s3;
	s0 =	sld [smem:$0x3FAC]  }
0x30: {  	s3 =	sld [smem:$0x3FAF]  }
0x31: {  	[smem:$0x3FB8] =	sst s10  }
0x32: {  	s10 =	sld [smem:$0x3FB6];
	_ =	sdelay $0x3  }
0x33: {  	p0 =	seq.s32 s10, $0x1;
	s10 =	sld [smem:$0x3FB8];
	_ =	sdelay $0x3  }
0x34: {  	[smem:$0x3FB8] =	sst s10  }
0x35: {  	s10 =	sld [smem:$0x3FB7];
	_ =	sdelay $0x3  }
0x36: {  	p1 =	seq.s32 s10, $0x1;
	s10 =	sld [smem:$0x3FB8];
	_ =	sdelay $0x3  }
0x37: {  	[smem:$0x3FB8] =	sst s10  }
0x38: {  	s10 =	sld [smem:$0x3FB9]  }
0x39: {  	_ = 	snop;
	(pc) =	sbr.ind lr, $3  }
0x3a: {  	_ = 	snop  }
0x3b: {  	_ = 	snop  }
0x3c: {  	p2 =	seq.s32 s10, $0x1;
	s10 =	sld [smem:$0x3FB8]  }
0x3d: {  	_ =	shalt  }
0x3e: {  	_ =	shalt  }
0x3f: {  	_ =	shalt  }
0x40: {  	_ =	shalt  }
0x41: {  	_ =	shalt  }
0x42: {  	_ =	shalt  }
0x43: {  	_ =	shalt  }
0x44: {  	_ =	shalt  }
0x45: {  	_ =	shalt  }
0x46: {  	_ =	shalt  }
0x47: {  	_ =	shalt  }
0x48: {  	_ =	shalt  }
0x49: {  	_ =	shalt  }
0x4a: {  	_ =	shalt  }
0x4b: {  	_ =	shalt  }
0x4c: {  	_ =	shalt  }
0x4d: {  	_ =	shalt  }
0x4e: {  	_ =	shalt  }
0x4f: {  	_ =	shalt  }
0x50: {  	_ =	shalt  }
0x51: {  	_ =	shalt  }
0x52: {  	_ =	shalt  }
0x53: {  	_ =	shalt  }
0x54: {  	_ =	shalt  }
0x55: {  	_ =	shalt  }
0x56: {  	_ =	shalt  }
0x57: {  	_ =	shalt  }
0x58: {  	_ =	shalt  }
0x59: {  	_ =	shalt  }
0x5a: {  	_ =	shalt  }
0x5b: {  	_ =	shalt  }
0x5c: {  	_ =	shalt  }
0x5d: {  	_ =	shalt  }
0x5e: {  	_ =	shalt  }
0x5f: {  	_ =	shalt  }
0x60: {  	_ =	shalt  }
0x61: {  	_ =	shalt  }
0x62: {  	_ =	shalt  }
0x63: {  	_ =	shalt  }
0x64: {  	_ =	shalt  }
0x65: {  	_ =	shalt  }
0x66: {  	_ =	shalt  }
0x67: {  	_ =	shalt  }
0x68: {  	_ =	shalt  }
0x69: {  	_ =	shalt  }
0x6a: {  	_ =	shalt  }
0x6b: {  	_ =	shalt  }
0x6c: {  	_ =	shalt  }
0x6d: {  	_ =	shalt  }
0x6e: {  	_ =	shalt  }
0x6f: {  	_ =	shalt  }
0x70: {  	_ =	shalt  }
0x71: {  	_ =	shalt  }
0x72: {  	_ =	shalt  }
0x73: {  	_ =	shalt  }
0x74: {  	_ =	shalt  }
0x75: {  	_ =	shalt  }
0x76: {  	_ =	shalt  }
0x77: {  	_ =	shalt  }
0x78: {  	_ =	shalt  }
0x79: {  	_ =	shalt  }
0x7a: {  	_ =	shalt  }
0x7b: {  	_ =	shalt  }
0x7c: {  	_ =	shalt  }
0x7d: {  	_ =	shalt  }
0x7e: {  	_ =	shalt  }
0x7f: {  	_ =	shalt  }
0x80: {  	_ =	shalt  }
0x81: {  	_ =	shalt  }
0x82: {  	_ =	shalt  }
0x83: {  	_ =	shalt  }
0x84: {  	_ =	shalt  }
0x85: {  	_ =	shalt  }
0x86: {  	_ =	shalt  }
0x87: {  	_ =	shalt  }
.Lfunc_end0:
.L_simem_size_0:
called_computation_lowered:
.L_overlay_start_0:
0x88: {  	s2 =	sld [smem:$0x3FD9]  }
0x89: {  	s3 =	sld [smem:$0x3FFE];
	_ =	sdelay $0x1  }
0x8a: {  	s1 =	srdreg.scid  }
0x8b: {  	s0 =	sand.u32 $0x1, s1  }
0x8c: {  	s17 =	sshll.u32 s0, $0xA;
	s2 =	sadd.s32 s3, s2  }
0x8d: {  	s2 =	sadd.s32 s2, s17  }
0x8e: {  	[smem:$0x3FC4] =	sst s2  }
0x8f: {  	_ = 	snop  }
0x90: {  	s2 =	sld [smem:$0x3FD0];
	(tm) =	ssettm $0x1  }
0x91: {  	s18 =	sld [smem:$0x3FFB];
	_ =	sdelay $0x3  }
0x92: {  	_ =	strace s18  }
0x93: {  	s3 =	sld [smem:$0x3FFC];
	_ =	sdelay $0x3  }
0x94: {  	_ =	strace s3  }
0x95: {  	s3 =	sld [smem:$0x3FFD];
	_ =	sdelay $0x3  }
0x96: {  	_ =	strace s3  }
0x97: {  	_ =	strace $0x8FFFFFFF  }
0x98: {  	s19 =	sld [smem:$0x3FDB];
	_ =	sdelay $0x1  }
0x99: {  	s4 =	simm.s32 $_scs_section_size  }
0x9a: {  	s5 =	simm.s32 $_size__tile_overlayer_lowered;
	s6 =	simm.s32 $_tile_overlayer_lowered  }
0x9b: {  	s22 =	simm.s32 $0x1BFF;
	s21 =	sshll.u32 s6, $0x1;
	s3 =	sadd.s32 s4, s19  }
0x9c: {  	s7 =	simm.s32 $0x0;
	s20 =	sshll.u32 s5, $0x1;
	s5 =	sadd.s32 s21, s3  }
0x9d: {  	[timem:s7], [sflag:s22] =	dma.local [hbm:s5], s20  }
0x9e: {  	_ =	swait.ge [sflag:s22], s20  }
0x9f: {  	s4 =	ssub.s32 $0x0, s20;
	[sflag:s22] =	ssyncset.done $0x0  }
0xa0: {  	[sflag:s22] =	ssyncadd.s32 s4;
	_ =	sdelay $0x1  }
0xa1: {  	s23 =	simm.s32 $0x1B8B  }
0xa2: {  	_ =	swait.ge [sflag:s23], $0x1  }
0xa3: {  	[sflag:s23] =	ssyncset.done $0x0  }
0xa4: {  	s25 =	simm.s32 $0x1B8E;
	s24 =	sld [smem:$0x3FFE];
	[sflag:s23] =	ssyncadd.s32 $0xFFFFFFFF  }
0xa5: {  	s26 =	simm.s32 $execute0_lowered;
	[smem:$0x3FD2] =	sst s25  }
0xa6: {  	s5 =	sshll.u32 s26, $0x1;
	_ =	strace $0x80000046;
	[dreg:$0x1] =	wrdreg $0xFFFFFFFF  }
0xa7: {  	s28 =	simm.s32 $_size_execute0_lowered;
	s3 =	sadd.s32 s3, s5;
	[dreg:$0x0] =	wrdreg $0x0  }
0xa8: {  	s5 =	sshll.u32 s28, $0x1;
	[dreg:$0x2] =	wrdreg s3  }
0xa9: {  	[dreg:$0x3] =	wrdreg s5  }
0xaa: {  	[dreg:$0x4] =	wrdreg $0xC0  }
0xab: {  	_ =	task [dreg:s7], $0x5FFFF  }
0xac: {  	[dreg:$0x1] =	wrdreg $0xFFFFFFFF  }
0xad: {  	[dreg:$0x0] =	wrdreg $0x60  }
0xae: {  	[dreg:$0x2] =	wrdreg s2  }
0xaf: {  	[dreg:$0x3] =	wrdreg s24  }
0xb0: {  	[dreg:$0x4] =	wrdreg $0x9  }
0xb1: {  	_ =	task.clear_ibuf [dreg:s7], $0x5FFFF;
	_ =	strace $0x90000046  }
0xb2: {  	s29 =	simm.s32 $0x9;
	_ =	strace $0x80000048  }
0xb3: {  	_ =	swait.ge [sflag:s29], $0x1  }
0xb4: {  	[sflag:s29] =	ssyncadd.s32 $0xFFFFFFFF  }
0xb5: {  	_ =	strace $0x90000048  }
0xb6: {  	_ =	sfence  }
0xb7: {  	s30 =	sld [smem:$0x0];
	_ =	sdelay $0x2  }
0xb8: {  	s31 =	sshll.u32 s1, $0xD;
	s1 =	sshrl.u32 s1, $0x2  }
0xb9: {  	s3 =	sand.u32 $0x4000, s31;
	s1 =	sadd.s32 s1, s30  }
0xba: {  	s0 =	sor.u32 s3, s0;
	s1 =	sshll.u32 s1, $0x11  }
0xbb: {  	s0 =	sor.u32 s1, s0  }
0xbc: {  	s0 =	sadd.s32 $0x8F2B, s0  }
0xbd: {  	[sflag:s0] =	ssyncadd.remote.s32 $0x1  }
0xbe: {  	_ =	sfence.sel $0xFFFF  }
0xbf: {  	[dreg:$0x0] =	wrdreg $0xFFFFFFFF;
	(pc) =	sbr.abs _section_cstart, $3  }
0xc0: {  	[dreg:$0x1] =	wrdreg $0xFFFFFFFF  }
0xc1: {  	_ =	task.clear_ibuf [dreg:s7], $0x2FFFF;
	_ =	strace $0x9FFFFFFF  }
0xc2: {  	(tm) =	ssettm $0x7FFFFFFF  }
0xc3: {  	_ =	shalt  }
tec
execute0_lowered:
.L_overlay_start_1:
0x0: {  	(tag) =	ssettag $0x1  }
0x1: {  	s1 =	srdreg.scid;
	s2 =	rddreg [dreg:$0x0]  }
0x2: {  	s0 =	stileid.u32;
	s8 =	rddreg [dreg:$0x1]  }
0x3: {  	s5 =	simm.s32 $0x1;
	s9 =	simm.s32 $0x1;
	s1 =	sshll.u32 s1, $0x5  }
0x4: {  	s10 =	simm.s32 $0x3;
	s3 =	sshll.u32 s0, $0x6;
	s4 =	sand.u32 $0x20, s1  }
0x5: {  	s13 =	simm.s32 $0x0;
	s12 =	simm.s32 $0x0;
	s3 =	sor.u32 s3, s4  }
0x6: {  	s1 =	rddreg [dreg:$0x2];
	_ =	strace $0x80000047;
	s7 =	ssub.s32 $0x800, s3  }
.Ltmp0:
0x7: {  	s4 =	sadd.s32 $0x200, s8;
	s6 =	sand.u32 $0x3E0, s7;
	(pc) =	sbr.rel .LBB2_1-.Ltmp0, $4  }
0x8: {  	[sflag:s5] =	ssyncpa.u1 $0x0;
	s8 =	sadd.s32 $0x400, s8;
	p0 =	sne.s32 s6, $0x0  }
0x9: {  	s7 =	sshrl.u32 s7, $0xA;
	s6 =	simm.s32 $0x2;
	s9 =	simm.s32 @!p0 $0x0  }
0xa: {  	s11 =	smov.u32 s3;
	[sflag:s6] =	ssyncpa.u1 $0x0;
	s7 =	sadd.s32 s9, s7  }
0xb: {  	vm0 =	vmmov $0xffff;
	[sflag:s10] =	ssyncpa.u1 $0x0;
	s10 =	simm.s32 $0x0;
	s9 =	sadd.s32 $0x1, s7  }
.LBB2_5:
0xc: {  	s15 =	sadd.s32 $0x400, s11  }
0xd: {  	p1 =	sgt.s32 s15, $0x7FF  }
0xe: {  	s15 =	smov.u32 @p1 s3;
	p1 =	sne.s32 s12, s9  }
.Ltmp1:
0xf: {  	p0 =	slt.u32 s12, $0x2;
	(pc) =	sbr.rel @!p1 .LBB2_6-.Ltmp1, $4  }
0x10: {  	s14 =	simm.s32 @!p0 $0x3  }
0x11: {  	_ =	swait.ge @!p0 [sflag:s14], $0x20  }
0x12: {  	s16 =	sadd.s32 $0x1, s12;
	s13 =	smov.u32 s11;
	[sflag:s14] =	ssyncset.done @!p0 $0x0  }
0x13: {  	s12 =	smov.u32 s16;
	s11 =	smov.u32 s15;
	[sflag:s14] =	ssyncadd.s32 @!p0 $0xFFFFFFE0  }
.LBB2_1:
0x14: {  	p0 =	sge.u32 s12, s7  }
0x15: {  	s14 =	sxor.u32 @!p0 $0xFFFFFFFF, s12  }
0x16: {  	s31 =	sadd.s32 $0xFFFFFFFF, s12;
	s15 =	sshrl.u32 @!p0 s11, $0x3;
	s14 =	sshll.u32 @!p0 s14, $0x5  }
0x17: {  	s16 =	sand.u32 @!p0 $0x7, s11;
	s15 =	sadd.s32 @!p0 s4, s15;
	s14 =	sand.u32 @!p0 $0x20, s14  }
0x18: {  	[tilespmem:s14], [sflag:$0x2] =	stream.linear.gather @!p0 [hbm4b:s15+s16], $0x20, $0x38;
	[tilespmem:$0x80] =	vst v63  }
0x19: {  	p0 =	sge.u32 s31, s7  }
.Ltmp2:
0x1a: {  	_ = 	snop;
	(pc) =	sbr.rel @p0 .LBB2_5-.Ltmp2, $1  }
0x1b: {  	_ =	sdelay $0x3  }
0x1c: {  	_ =	swait.ge [sflag:s6], $0x20;
	s14 =	sshll.u32 s12, $0x5;
	s16 =	simm.s32 $0x0  }
0x1d: {  	p0 =	por $0x1, $0x1;
	[sflag:s6] =	ssyncset.done $0x0;
	s15 =	sand.u32 $0x20, s14  }
0x1e: {  	[sflag:s6] =	ssyncadd.s32 $0xFFFFFFE0;
	(ifvalue) =	ssetifvalue $0x7FFFFFFF;
	s14 =	sor.u32 $0x40, s15  }
.LBB2_3:
0x1f: {  	s17 =	sadd.s32 s16, s15  }
0x20: {  	v0 =	vld.msk [tilespmem:s17+$0x0 ss:$0x1], $0xffff;
	_ =	sdelay $0x4  }
0x21: {  	v1 =	vshrl.u32 v0, $0x2  }
0x22: {  	vm1 =	veq.s32 v0, $0x80000000;
	v1 =	vand.u32 $0xFFF, v1  }
0x23: {  	v0 =	vand.u32 $0x3, v0;
	v1 =	vsel vm1, $0xFFFFFFFF, v1  }
0x24: {  	v0 =	vsel vm1, $0xFFFFFFFF, v0;
	v2 =	vshll.u32 v1, $0x2  }
0x25: {  	v3 =	vand.u32 $0xFFFFC000, v0;
	v0 =	vshll.u32 v0, $0x7;
	v2 =	vand.u32 $0xFFFFFE00, v2  }
0x26: {  	v0 =	vand.u32 $0x180, v0;
	v2 =	vadd.s32 v3, v2  }
0x27: {  	v1 =	vand.u32 $0x7F, v1;
	v0 =	vor.u32 v0, v2  }
0x28: {  	p1 =	por p0, p0;
	v0 =	vor.u32 v1, v0  }
.Ltmp3:
0x29: {  	_ = 	snop;
	(pc) =	sbr.rel @p1 .LBB2_3-.Ltmp3, $4  }
0x2a: {  	_ = 	snop  }
0x2b: {  	s31 =	sadd.s32 s16, s14  }
0x2c: {  	s16 =	simm.s32 $0x10;
	p0 =	por $0x0, $0x0;
	(ifvalue) =	ssetifvalue $0x7FFFFFFF  }
0x2d: {  	[tilespmem:s31], [sflag:$0x1] =	stream.indirect_vreg.gather [hbm4b:s2+s10], $0x1, v0, vm0, $0x4038;
	[tilespmem:$0x80] =	vst v63  }
.Ltmp4:
0x2e: {  	(pc) =	sbr.rel .LBB2_5-.Ltmp4, $4  }
0x2f: {  	_ =	swait.ge [sflag:s5], $0x20  }
0x30: {  	s15 =	sshrl.u32 s13, $0x3;
	[sflag:s5] =	ssyncset.done $0x0  }
0x31: {  	s31 =	sand.u32 $0x7, s13;
	s15 =	sadd.s32 s8, s15;
	[sflag:s5] =	ssyncadd.s32 $0xFFFFFFE0  }
0x32: {  	[hbm4b:s15+s31] =	stream.linear.scatter [tilespmem:s14], [sflag:$0x3], $0x20, $0x38;
	[tilespmem:$0x80] =	vst v63  }
.LBB2_6:
0x33: {  	_ =	sfence.sel $0x180000  }
0x34: {  	s2 =	simm.s32 $0x2;
	[bflag:$0x0] =	sbarrier.arrive $0xFFFF  }
0x35: {  	s30 =	simm.s32 $0x3;
	[sflag:s2] =	ssyncpa.u1 $0x1  }
0x36: {  	s31 =	simm.s32 $0x1;
	[sflag:s30] =	ssyncpa.u1 $0x1  }
0x37: {  	[sflag:s31] =	ssyncpa.u1 $0x1  }
0x38: {  	p0 =	sne.s32 s0, $0x0;
	_ =	strace $0x90000047  }
0x39: {  	s0 =	sadd.s32 @!p0 $0x100000, s1;
	[bflag:$0x2] =	sbarrier.arrive $0xFFFF  }
0x3a: {  	[sflag:s0] =	ssyncadd.tile.s32 @!p0 $0x1;
	_ =	shalt  }
.Lfunc_end2:
_tile_overlayer_lowered:
.L_overlay_start_2:
0x3b: {  	(tag) =	ssettag $0x2  }
0x3c: {  	s0 =	rddreg [dreg:$0x0];
	s2 =	stileid.u32  }
0x3d: {  	s1 =	rddreg [dreg:$0x1];
	p0 =	sne.s32 s2, $0x0  }
0x3e: {  	s3 =	rddreg [dreg:$0x2];
	[bflag:$0x3] =	sbarrier.arrive $0xFFFF;
	s2 =	simm.s32 @!p0 $0x1C01  }
0x3f: {  	[timem:s3], [sflag:s2] =	dma.local @!p0 [hbm:s0], s1  }
0x40: {  	s0 =	simm.s32 @!p0 $0x1  }
0x41: {  	_ =	swait.ge @!p0 [sflag:s0], s1  }
0x42: {  	s1 =	ssub.s32 @!p0 $0x0, s1;
	[sflag:s0] =	ssyncset.done @!p0 $0x0  }
0x43: {  	[sflag:s0] =	ssyncadd.s32 @!p0 s1  }
0x44: {  	[bflag:$0x3] =	sbarrier.arrive $0xFFFF  }
0x45: {  	_ =	shalt  }

</sc_bundles>
